<compile_context>
chip_gen: v7x
topology: tpu7x:2x2x1
jax: 0.10.2.dev20260603
libtpu: 0.0.44.dev20260713+nightly
codegen_flags: <defaults>
</compile_context>

<pallas_src>
import functools

import jax
import jax.numpy as jnp
from jax import lax
from jax.experimental import pallas as pl
from jax.experimental.pallas import tpu as pltpu
from jax.experimental.pallas import tpu_sc as plsc

_BN = 4096


def _fused_kernel(x_ref, w_ref, b_ref, y_ref):
    acc = jnp.dot(x_ref[...], w_ref[...], preferred_element_type=jnp.float32)
    y_ref[...] = acc + b_ref[...]


def _make_sc_zero_fill(N):
    info = plsc.get_sparse_core_info()
    nw = info.num_cores * info.num_subcores
    chunk = N // nw
    mesh = plsc.VectorSubcoreMesh(core_axis_name="c", subcore_axis_name="s")

    @functools.partial(
        pl.kernel,
        mesh=mesh,
        out_type=[
            jax.ShapeDtypeStruct((N,), jnp.float32),
            jax.ShapeDtypeStruct((N,), jnp.float32),
        ],
        scratch_types=[pltpu.VMEM((chunk,), jnp.float32)],
    )
    def zero_fill(ep_hbm, gl_hbm, buf):
        wid = lax.axis_index("s") * info.num_cores + lax.axis_index("c")
        base = wid * chunk
        for i in range(chunk // 16):
            buf[pl.ds(16 * i, 16)] = jnp.zeros((16,), jnp.float32)
        pltpu.sync_copy(buf, ep_hbm.at[pl.ds(base, chunk)])
        pltpu.sync_copy(buf, gl_hbm.at[pl.ds(base, chunk)])

    return zero_fill


def kernel(X, W, b):
    N, K = X.shape
    M = W.shape[1]
    y_hat = pl.pallas_call(
        _fused_kernel,
        grid=(N // _BN,),
        in_specs=[
            pl.BlockSpec((_BN, K), lambda i: (i, 0)),
            pl.BlockSpec((K, M), lambda i: (0, 0)),
            pl.BlockSpec((1, M), lambda i: (0, 0)),
        ],
        out_specs=pl.BlockSpec((_BN, M), lambda i: (i, 0)),
        out_shape=jax.ShapeDtypeStruct((N, M), X.dtype),
    )(X, W, b.reshape(1, M))
    exit_points, gate_flat = _make_sc_zero_fill(N)()
    return (y_hat, exit_points, gate_flat.reshape(N, 1))

# --- scband reference (transcript-rebuilt; emitter-appended) ---
"""Pipeline reference for scband-early-exit-model-28338194219648 (READ-ONLY COPY).

The authoritative reference and input builder live on the scoring server;
editing this copy changes nothing except your own understanding.
"""

import jax, jax.numpy as jnp
import numpy as np


def setup_inputs(seed: int = 0) -> dict:
    key = jax.random.key(seed)
    k1, k2, k3 = jax.random.split(key, 3)
    X = jax.random.normal(k1, (16384, 256), dtype=jnp.float32)
    # learned params of the wrapped backbone model (nn.Linear(256, 1000))
    W = jax.random.normal(k2, (256, 1000), dtype=jnp.float32) * 0.02
    b = jnp.zeros((1000,), dtype=jnp.float32)
    return {"X": X, "W": W, "b": b}


def reference(X, W, b):
    # EarlyExitModel.forward with no exits added (exit_modules == []),
    # wrapped model = Linear(256, 1000). Faithful to the torch control flow:
    N = X.shape[0]
    num_outputs = W.shape[1]
    num_exit_modules = 0

    # last_layer_y_hat = self.model(X)
    last_layer_y_hat = X @ W + b

    # y_hat = torch.empty((N, num_outputs)); use zeros for determinism
    y_hat = jnp.zeros((N, num_outputs), dtype=X.dtype)
    exit_gate_logits = jnp.zeros((N, 1), dtype=X.dtype)
    exit_points = jnp.ones((N,), dtype=X.dtype) * num_exit_modules
    idx = jnp.arange(N)

    # (loop over exit_modules is empty)

    # y_hat[idx] = last_layer_y_hat  -> scatter-overwrite into memory
    y_hat = y_hat.at[idx].set(last_layer_y_hat)

    # exit_gate_logits_new = full(inf); exit_gate_logits_new[~idx] = exit_gate_logits[~idx]
    # torch bitwise-not on int tensor: ~idx == -(idx + 1), i.e. negative (wrap-around) indices
    neg_idx = -(idx + 1)
    exit_gate_logits_new = jnp.full((N, 1), jnp.inf, dtype=X.dtype)
    exit_gate_logits_new = exit_gate_logits_new.at[neg_idx].set(exit_gate_logits[neg_idx])
    exit_gate_logits = exit_gate_logits_new

    return (y_hat, exit_points, exit_gate_logits)

if __name__ == "__main__":
    import jax
    _d = setup_inputs()
    print(jax.jit(kernel)(*tuple(_d.values())))

</pallas_src>

<mosaic_0001>
#map = affine_map<(d0, d1) -> (0)>
module attributes {stable_mosaic.version = 14 : i64} {
  func.func @zero_fill(%arg0: i32, %arg1: i32, %arg2: memref<16384xf32, #tpu.memory_space<hbm>>, %arg3: memref<16384xf32, #tpu.memory_space<hbm>>, %arg4: memref<512xf32, #tpu.memory_space<vmem>>) attributes {dimension_semantics = [#tpu.dimension_semantics<core_parallel>, #tpu.dimension_semantics<subcore_parallel>], iteration_bounds = array<i64: 2, 16>, scalar_prefetch = 0 : i64, scratch_operands = 1 : i64, tpu.core_type = #tpu.core_type<sc_vector_subcore>, window_params = [{transform_indices = #map}, {transform_indices = #map}]} {
    %mul3A = arith.constant 2 : i32
    %mul3A_0 = arith.muli %arg1, %mul3A : i32
    %add3A = arith.addi %mul3A_0, %arg0 : i32
    %mul3A_1 = arith.constant 512 : i32
    %mul3A_2 = arith.muli %add3A, %mul3A_1 : i32
    %broadcast_in_dim3A = arith.constant 0.000000e+00 : f32
    %broadcast_in_dim3A_3 = vector.broadcast %broadcast_in_dim3A : f32 to vector<16xf32>
    %swap3A = arith.constant 0 : index
    %swap3A_4 = tpu.vector_load %arg4[%swap3A] {strides = array<i32>} : memref<512xf32, #tpu.memory_space<vmem>>, vector<16xf32>,
    %swap3A_5 = vector.shape_cast %swap3A_4 : vector<16xf32> to vector<16xf32>
    %swap3A_6 = vector.shape_cast %broadcast_in_dim3A_3 : vector<16xf32> to vector<16xf32>
    tpu.vector_store %arg4[%swap3A], %swap3A_6 {strides = array<i32>} : memref<512xf32, #tpu.memory_space<vmem>>, vector<16xf32>,
    %broadcast_in_dim3A_7 = arith.constant 0.000000e+00 : f32
    %broadcast_in_dim3A_8 = vector.broadcast %broadcast_in_dim3A_7 : f32 to vector<16xf32>
    %swap3A_9 = arith.constant 16 : index
    %swap3A_10 = tpu.vector_load %arg4[%swap3A_9] {strides = array<i32>} : memref<512xf32, #tpu.memory_space<vmem>>, vector<16xf32>,
    %swap3A_11 = vector.shape_cast %swap3A_10 : vector<16xf32> to vector<16xf32>
    %swap3A_12 = vector.shape_cast %broadcast_in_dim3A_8 : vector<16xf32> to vector<16xf32>
    tpu.vector_store %arg4[%swap3A_9], %swap3A_12 {strides = array<i32>} : memref<512xf32, #tpu.memory_space<vmem>>, vector<16xf32>,
    %broadcast_in_dim3A_13 = arith.constant 0.000000e+00 : f32
    %broadcast_in_dim3A_14 = vector.broadcast %broadcast_in_dim3A_13 : f32 to vector<16xf32>
    %swap3A_15 = arith.constant 32 : index
    %swap3A_16 = tpu.vector_load %arg4[%swap3A_15] {strides = array<i32>} : memref<512xf32, #tpu.memory_space<vmem>>, vector<16xf32>,
    %swap3A_17 = vector.shape_cast %swap3A_16 : vector<16xf32> to vector<16xf32>
    %swap3A_18 = vector.shape_cast %broadcast_in_dim3A_14 : vector<16xf32> to vector<16xf32>
    tpu.vector_store %arg4[%swap3A_15], %swap3A_18 {strides = array<i32>} : memref<512xf32, #tpu.memory_space<vmem>>, vector<16xf32>,
    %broadcast_in_dim3A_19 = arith.constant 0.000000e+00 : f32
    %broadcast_in_dim3A_20 = vector.broadcast %broadcast_in_dim3A_19 : f32 to vector<16xf32>
    %swap3A_21 = arith.constant 48 : index
    %swap3A_22 = tpu.vector_load %arg4[%swap3A_21] {strides = array<i32>} : memref<512xf32, #tpu.memory_space<vmem>>, vector<16xf32>,
    %swap3A_23 = vector.shape_cast %swap3A_22 : vector<16xf32> to vector<16xf32>
    %swap3A_24 = vector.shape_cast %broadcast_in_dim3A_20 : vector<16xf32> to vector<16xf32>
    tpu.vector_store %arg4[%swap3A_21], %swap3A_24 {strides = array<i32>} : memref<512xf32, #tpu.memory_space<vmem>>, vector<16xf32>,
    %broadcast_in_dim3A_25 = arith.constant 0.000000e+00 : f32
    %broadcast_in_dim3A_26 = vector.broadcast %broadcast_in_dim3A_25 : f32 to vector<16xf32>
    %swap3A_27 = arith.constant 64 : index
    %swap3A_28 = tpu.vector_load %arg4[%swap3A_27] {strides = array<i32>} : memref<512xf32, #tpu.memory_space<vmem>>, vector<16xf32>,
    %swap3A_29 = vector.shape_cast %swap3A_28 : vector<16xf32> to vector<16xf32>
    %swap3A_30 = vector.shape_cast %broadcast_in_dim3A_26 : vector<16xf32> to vector<16xf32>
    tpu.vector_store %arg4[%swap3A_27], %swap3A_30 {strides = array<i32>} : memref<512xf32, #tpu.memory_space<vmem>>, vector<16xf32>,
    %broadcast_in_dim3A_31 = arith.constant 0.000000e+00 : f32
    %broadcast_in_dim3A_32 = vector.broadcast %broadcast_in_dim3A_31 : f32 to vector<16xf32>
    %swap3A_33 = arith.constant 80 : index
    %swap3A_34 = tpu.vector_load %arg4[%swap3A_33] {strides = array<i32>} : memref<512xf32, #tpu.memory_space<vmem>>, vector<16xf32>,
    %swap3A_35 = vector.shape_cast %swap3A_34 : vector<16xf32> to vector<16xf32>
    %swap3A_36 = vector.shape_cast %broadcast_in_dim3A_32 : vector<16xf32> to vector<16xf32>
    tpu.vector_store %arg4[%swap3A_33], %swap3A_36 {strides = array<i32>} : memref<512xf32, #tpu.memory_space<vmem>>, vector<16xf32>,
    %broadcast_in_dim3A_37 = arith.constant 0.000000e+00 : f32
    %broadcast_in_dim3A_38 = vector.broadcast %broadcast_in_dim3A_37 : f32 to vector<16xf32>
    %swap3A_39 = arith.constant 96 : index
    %swap3A_40 = tpu.vector_load %arg4[%swap3A_39] {strides = array<i32>} : memref<512xf32, #tpu.memory_space<vmem>>, vector<16xf32>,
    %swap3A_41 = vector.shape_cast %swap3A_40 : vector<16xf32> to vector<16xf32>
    %swap3A_42 = vector.shape_cast %broadcast_in_dim3A_38 : vector<16xf32> to vector<16xf32>
    tpu.vector_store %arg4[%swap3A_39], %swap3A_42 {strides = array<i32>} : memref<512xf32, #tpu.memory_space<vmem>>, vector<16xf32>,
    %broadcast_in_dim3A_43 = arith.constant 0.000000e+00 : f32
    %broadcast_in_dim3A_44 = vector.broadcast %broadcast_in_dim3A_43 : f32 to vector<16xf32>
    %swap3A_45 = arith.constant 112 : index
    %swap3A_46 = tpu.vector_load %arg4[%swap3A_45] {strides = array<i32>} : memref<512xf32, #tpu.memory_space<vmem>>, vector<16xf32>,
    %swap3A_47 = vector.shape_cast %swap3A_46 : vector<16xf32> to vector<16xf32>
    %swap3A_48 = vector.shape_cast %broadcast_in_dim3A_44 : vector<16xf32> to vector<16xf32>
    tpu.vector_store %arg4[%swap3A_45], %swap3A_48 {strides = array<i32>} : memref<512xf32, #tpu.memory_space<vmem>>, vector<16xf32>,
    %broadcast_in_dim3A_49 = arith.constant 0.000000e+00 : f32
    %broadcast_in_dim3A_50 = vector.broadcast %broadcast_in_dim3A_49 : f32 to vector<16xf32>
    %swap3A_51 = arith.constant 128 : index
    %swap3A_52 = tpu.vector_load %arg4[%swap3A_51] {strides = array<i32>} : memref<512xf32, #tpu.memory_space<vmem>>, vector<16xf32>,
    %swap3A_53 = vector.shape_cast %swap3A_52 : vector<16xf32> to vector<16xf32>
    %swap3A_54 = vector.shape_cast %broadcast_in_dim3A_50 : vector<16xf32> to vector<16xf32>
    tpu.vector_store %arg4[%swap3A_51], %swap3A_54 {strides = array<i32>} : memref<512xf32, #tpu.memory_space<vmem>>, vector<16xf32>,
    %broadcast_in_dim3A_55 = arith.constant 0.000000e+00 : f32
    %broadcast_in_dim3A_56 = vector.broadcast %broadcast_in_dim3A_55 : f32 to vector<16xf32>
    %swap3A_57 = arith.constant 144 : index
    %swap3A_58 = tpu.vector_load %arg4[%swap3A_57] {strides = array<i32>} : memref<512xf32, #tpu.memory_space<vmem>>, vector<16xf32>,
    %swap3A_59 = vector.shape_cast %swap3A_58 : vector<16xf32> to vector<16xf32>
    %swap3A_60 = vector.shape_cast %broadcast_in_dim3A_56 : vector<16xf32> to vector<16xf32>
    tpu.vector_store %arg4[%swap3A_57], %swap3A_60 {strides = array<i32>} : memref<512xf32, #tpu.memory_space<vmem>>, vector<16xf32>,
    %broadcast_in_dim3A_61 = arith.constant 0.000000e+00 : f32
    %broadcast_in_dim3A_62 = vector.broadcast %broadcast_in_dim3A_61 : f32 to vector<16xf32>
    %swap3A_63 = arith.constant 160 : index
    %swap3A_64 = tpu.vector_load %arg4[%swap3A_63] {strides = array<i32>} : memref<512xf32, #tpu.memory_space<vmem>>, vector<16xf32>,
    %swap3A_65 = vector.shape_cast %swap3A_64 : vector<16xf32> to vector<16xf32>
    %swap3A_66 = vector.shape_cast %broadcast_in_dim3A_62 : vector<16xf32> to vector<16xf32>
    tpu.vector_store %arg4[%swap3A_63], %swap3A_66 {strides = array<i32>} : memref<512xf32, #tpu.memory_space<vmem>>, vector<16xf32>,
    %broadcast_in_dim3A_67 = arith.constant 0.000000e+00 : f32
    %broadcast_in_dim3A_68 = vector.broadcast %broadcast_in_dim3A_67 : f32 to vector<16xf32>
    %swap3A_69 = arith.constant 176 : index
    %swap3A_70 = tpu.vector_load %arg4[%swap3A_69] {strides = array<i32>} : memref<512xf32, #tpu.memory_space<vmem>>, vector<16xf32>,
    %swap3A_71 = vector.shape_cast %swap3A_70 : vector<16xf32> to vector<16xf32>
    %swap3A_72 = vector.shape_cast %broadcast_in_dim3A_68 : vector<16xf32> to vector<16xf32>
    tpu.vector_store %arg4[%swap3A_69], %swap3A_72 {strides = array<i32>} : memref<512xf32, #tpu.memory_space<vmem>>, vector<16xf32>,
    %broadcast_in_dim3A_73 = arith.constant 0.000000e+00 : f32
    %broadcast_in_dim3A_74 = vector.broadcast %broadcast_in_dim3A_73 : f32 to vector<16xf32>
    %swap3A_75 = arith.constant 192 : index
    %swap3A_76 = tpu.vector_load %arg4[%swap3A_75] {strides = array<i32>} : memref<512xf32, #tpu.memory_space<vmem>>, vector<16xf32>,
    %swap3A_77 = vector.shape_cast %swap3A_76 : vector<16xf32> to vector<16xf32>
    %swap3A_78 = vector.shape_cast %broadcast_in_dim3A_74 : vector<16xf32> to vector<16xf32>
    tpu.vector_store %arg4[%swap3A_75], %swap3A_78 {strides = array<i32>} : memref<512xf32, #tpu.memory_space<vmem>>, vector<16xf32>,
    %broadcast_in_dim3A_79 = arith.constant 0.000000e+00 : f32
    %broadcast_in_dim3A_80 = vector.broadcast %broadcast_in_dim3A_79 : f32 to vector<16xf32>
    %swap3A_81 = arith.constant 208 : index
    %swap3A_82 = tpu.vector_load %arg4[%swap3A_81] {strides = array<i32>} : memref<512xf32, #tpu.memory_space<vmem>>, vector<16xf32>,
    %swap3A_83 = vector.shape_cast %swap3A_82 : vector<16xf32> to vector<16xf32>
    %swap3A_84 = vector.shape_cast %broadcast_in_dim3A_80 : vector<16xf32> to vector<16xf32>
    tpu.vector_store %arg4[%swap3A_81], %swap3A_84 {strides = array<i32>} : memref<512xf32, #tpu.memory_space<vmem>>, vector<16xf32>,
    %broadcast_in_dim3A_85 = arith.constant 0.000000e+00 : f32
    %broadcast_in_dim3A_86 = vector.broadcast %broadcast_in_dim3A_85 : f32 to vector<16xf32>
    %swap3A_87 = arith.constant 224 : index
    %swap3A_88 = tpu.vector_load %arg4[%swap3A_87] {strides = array<i32>} : memref<512xf32, #tpu.memory_space<vmem>>, vector<16xf32>,
    %swap3A_89 = vector.shape_cast %swap3A_88 : vector<16xf32> to vector<16xf32>
    %swap3A_90 = vector.shape_cast %broadcast_in_dim3A_86 : vector<16xf32> to vector<16xf32>
    tpu.vector_store %arg4[%swap3A_87], %swap3A_90 {strides = array<i32>} : memref<512xf32, #tpu.memory_space<vmem>>, vector<16xf32>,
    %broadcast_in_dim3A_91 = arith.constant 0.000000e+00 : f32
    %broadcast_in_dim3A_92 = vector.broadcast %broadcast_in_dim3A_91 : f32 to vector<16xf32>
    %swap3A_93 = arith.constant 240 : index
    %swap3A_94 = tpu.vector_load %arg4[%swap3A_93] {strides = array<i32>} : memref<512xf32, #tpu.memory_space<vmem>>, vector<16xf32>,
    %swap3A_95 = vector.shape_cast %swap3A_94 : vector<16xf32> to vector<16xf32>
    %swap3A_96 = vector.shape_cast %broadcast_in_dim3A_92 : vector<16xf32> to vector<16xf32>
    tpu.vector_store %arg4[%swap3A_93], %swap3A_96 {strides = array<i32>} : memref<512xf32, #tpu.memory_space<vmem>>, vector<16xf32>,
    %broadcast_in_dim3A_97 = arith.constant 0.000000e+00 : f32
    %broadcast_in_dim3A_98 = vector.broadcast %broadcast_in_dim3A_97 : f32 to vector<16xf32>
    %swap3A_99 = arith.constant 256 : index
    %swap3A_100 = tpu.vector_load %arg4[%swap3A_99] {strides = array<i32>} : memref<512xf32, #tpu.memory_space<vmem>>, vector<16xf32>,
    %swap3A_101 = vector.shape_cast %swap3A_100 : vector<16xf32> to vector<16xf32>
    %swap3A_102 = vector.shape_cast %broadcast_in_dim3A_98 : vector<16xf32> to vector<16xf32>
    tpu.vector_store %arg4[%swap3A_99], %swap3A_102 {strides = array<i32>} : memref<512xf32, #tpu.memory_space<vmem>>, vector<16xf32>,
    %broadcast_in_dim3A_103 = arith.constant 0.000000e+00 : f32
    %broadcast_in_dim3A_104 = vector.broadcast %broadcast_in_dim3A_103 : f32 to vector<16xf32>
    %swap3A_105 = arith.constant 272 : index
    %swap3A_106 = tpu.vector_load %arg4[%swap3A_105] {strides = array<i32>} : memref<512xf32, #tpu.memory_space<vmem>>, vector<16xf32>,
    %swap3A_107 = vector.shape_cast %swap3A_106 : vector<16xf32> to vector<16xf32>
    %swap3A_108 = vector.shape_cast %broadcast_in_dim3A_104 : vector<16xf32> to vector<16xf32>
    tpu.vector_store %arg4[%swap3A_105], %swap3A_108 {strides = array<i32>} : memref<512xf32, #tpu.memory_space<vmem>>, vector<16xf32>,
    %broadcast_in_dim3A_109 = arith.constant 0.000000e+00 : f32
    %broadcast_in_dim3A_110 = vector.broadcast %broadcast_in_dim3A_109 : f32 to vector<16xf32>
    %swap3A_111 = arith.constant 288 : index
    %swap3A_112 = tpu.vector_load %arg4[%swap3A_111] {strides = array<i32>} : memref<512xf32, #tpu.memory_space<vmem>>, vector<16xf32>,
    %swap3A_113 = vector.shape_cast %swap3A_112 : vector<16xf32> to vector<16xf32>
    %swap3A_114 = vector.shape_cast %broadcast_in_dim3A_110 : vector<16xf32> to vector<16xf32>
    tpu.vector_store %arg4[%swap3A_111], %swap3A_114 {strides = array<i32>} : memref<512xf32, #tpu.memory_space<vmem>>, vector<16xf32>,
    %broadcast_in_dim3A_115 = arith.constant 0.000000e+00 : f32
    %broadcast_in_dim3A_116 = vector.broadcast %broadcast_in_dim3A_115 : f32 to vector<16xf32>
    %swap3A_117 = arith.constant 304 : index
    %swap3A_118 = tpu.vector_load %arg4[%swap3A_117] {strides = array<i32>} : memref<512xf32, #tpu.memory_space<vmem>>, vector<16xf32>,
    %swap3A_119 = vector.shape_cast %swap3A_118 : vector<16xf32> to vector<16xf32>
    %swap3A_120 = vector.shape_cast %broadcast_in_dim3A_116 : vector<16xf32> to vector<16xf32>
    tpu.vector_store %arg4[%swap3A_117], %swap3A_120 {strides = array<i32>} : memref<512xf32, #tpu.memory_space<vmem>>, vector<16xf32>,
    %broadcast_in_dim3A_121 = arith.constant 0.000000e+00 : f32
    %broadcast_in_dim3A_122 = vector.broadcast %broadcast_in_dim3A_121 : f32 to vector<16xf32>
    %swap3A_123 = arith.constant 320 : index
    %swap3A_124 = tpu.vector_load %arg4[%swap3A_123] {strides = array<i32>} : memref<512xf32, #tpu.memory_space<vmem>>, vector<16xf32>,
    %swap3A_125 = vector.shape_cast %swap3A_124 : vector<16xf32> to vector<16xf32>
    %swap3A_126 = vector.shape_cast %broadcast_in_dim3A_122 : vector<16xf32> to vector<16xf32>
    tpu.vector_store %arg4[%swap3A_123], %swap3A_126 {strides = array<i32>} : memref<512xf32, #tpu.memory_space<vmem>>, vector<16xf32>,
    %broadcast_in_dim3A_127 = arith.constant 0.000000e+00 : f32
    %broadcast_in_dim3A_128 = vector.broadcast %broadcast_in_dim3A_127 : f32 to vector<16xf32>
    %swap3A_129 = arith.constant 336 : index
    %swap3A_130 = tpu.vector_load %arg4[%swap3A_129] {strides = array<i32>} : memref<512xf32, #tpu.memory_space<vmem>>, vector<16xf32>,
    %swap3A_131 = vector.shape_cast %swap3A_130 : vector<16xf32> to vector<16xf32>
    %swap3A_132 = vector.shape_cast %broadcast_in_dim3A_128 : vector<16xf32> to vector<16xf32>
    tpu.vector_store %arg4[%swap3A_129], %swap3A_132 {strides = array<i32>} : memref<512xf32, #tpu.memory_space<vmem>>, vector<16xf32>,
    %broadcast_in_dim3A_133 = arith.constant 0.000000e+00 : f32
    %broadcast_in_dim3A_134 = vector.broadcast %broadcast_in_dim3A_133 : f32 to vector<16xf32>
    %swap3A_135 = arith.constant 352 : index
    %swap3A_136 = tpu.vector_load %arg4[%swap3A_135] {strides = array<i32>} : memref<512xf32, #tpu.memory_space<vmem>>, vector<16xf32>,
    %swap3A_137 = vector.shape_cast %swap3A_136 : vector<16xf32> to vector<16xf32>
    %swap3A_138 = vector.shape_cast %broadcast_in_dim3A_134 : vector<16xf32> to vector<16xf32>
    tpu.vector_store %arg4[%swap3A_135], %swap3A_138 {strides = array<i32>} : memref<512xf32, #tpu.memory_space<vmem>>, vector<16xf32>,
    %broadcast_in_dim3A_139 = arith.constant 0.000000e+00 : f32
    %broadcast_in_dim3A_140 = vector.broadcast %broadcast_in_dim3A_139 : f32 to vector<16xf32>
    %swap3A_141 = arith.constant 368 : index
    %swap3A_142 = tpu.vector_load %arg4[%swap3A_141] {strides = array<i32>} : memref<512xf32, #tpu.memory_space<vmem>>, vector<16xf32>,
    %swap3A_143 = vector.shape_cast %swap3A_142 : vector<16xf32> to vector<16xf32>
    %swap3A_144 = vector.shape_cast %broadcast_in_dim3A_140 : vector<16xf32> to vector<16xf32>
    tpu.vector_store %arg4[%swap3A_141], %swap3A_144 {strides = array<i32>} : memref<512xf32, #tpu.memory_space<vmem>>, vector<16xf32>,
    %broadcast_in_dim3A_145 = arith.constant 0.000000e+00 : f32
    %broadcast_in_dim3A_146 = vector.broadcast %broadcast_in_dim3A_145 : f32 to vector<16xf32>
    %swap3A_147 = arith.constant 384 : index
    %swap3A_148 = tpu.vector_load %arg4[%swap3A_147] {strides = array<i32>} : memref<512xf32, #tpu.memory_space<vmem>>, vector<16xf32>,
    %swap3A_149 = vector.shape_cast %swap3A_148 : vector<16xf32> to vector<16xf32>
    %swap3A_150 = vector.shape_cast %broadcast_in_dim3A_146 : vector<16xf32> to vector<16xf32>
    tpu.vector_store %arg4[%swap3A_147], %swap3A_150 {strides = array<i32>} : memref<512xf32, #tpu.memory_space<vmem>>, vector<16xf32>,
    %broadcast_in_dim3A_151 = arith.constant 0.000000e+00 : f32
    %broadcast_in_dim3A_152 = vector.broadcast %broadcast_in_dim3A_151 : f32 to vector<16xf32>
    %swap3A_153 = arith.constant 400 : index
    %swap3A_154 = tpu.vector_load %arg4[%swap3A_153] {strides = array<i32>} : memref<512xf32, #tpu.memory_space<vmem>>, vector<16xf32>,
    %swap3A_155 = vector.shape_cast %swap3A_154 : vector<16xf32> to vector<16xf32>
    %swap3A_156 = vector.shape_cast %broadcast_in_dim3A_152 : vector<16xf32> to vector<16xf32>
    tpu.vector_store %arg4[%swap3A_153], %swap3A_156 {strides = array<i32>} : memref<512xf32, #tpu.memory_space<vmem>>, vector<16xf32>,
    %broadcast_in_dim3A_157 = arith.constant 0.000000e+00 : f32
    %broadcast_in_dim3A_158 = vector.broadcast %broadcast_in_dim3A_157 : f32 to vector<16xf32>
    %swap3A_159 = arith.constant 416 : index
    %swap3A_160 = tpu.vector_load %arg4[%swap3A_159] {strides = array<i32>} : memref<512xf32, #tpu.memory_space<vmem>>, vector<16xf32>,
    %swap3A_161 = vector.shape_cast %swap3A_160 : vector<16xf32> to vector<16xf32>
    %swap3A_162 = vector.shape_cast %broadcast_in_dim3A_158 : vector<16xf32> to vector<16xf32>
    tpu.vector_store %arg4[%swap3A_159], %swap3A_162 {strides = array<i32>} : memref<512xf32, #tpu.memory_space<vmem>>, vector<16xf32>,
    %broadcast_in_dim3A_163 = arith.constant 0.000000e+00 : f32
    %broadcast_in_dim3A_164 = vector.broadcast %broadcast_in_dim3A_163 : f32 to vector<16xf32>
    %swap3A_165 = arith.constant 432 : index
    %swap3A_166 = tpu.vector_load %arg4[%swap3A_165] {strides = array<i32>} : memref<512xf32, #tpu.memory_space<vmem>>, vector<16xf32>,
    %swap3A_167 = vector.shape_cast %swap3A_166 : vector<16xf32> to vector<16xf32>
    %swap3A_168 = vector.shape_cast %broadcast_in_dim3A_164 : vector<16xf32> to vector<16xf32>
    tpu.vector_store %arg4[%swap3A_165], %swap3A_168 {strides = array<i32>} : memref<512xf32, #tpu.memory_space<vmem>>, vector<16xf32>,
    %broadcast_in_dim3A_169 = arith.constant 0.000000e+00 : f32
    %broadcast_in_dim3A_170 = vector.broadcast %broadcast_in_dim3A_169 : f32 to vector<16xf32>
    %swap3A_171 = arith.constant 448 : index
    %swap3A_172 = tpu.vector_load %arg4[%swap3A_171] {strides = array<i32>} : memref<512xf32, #tpu.memory_space<vmem>>, vector<16xf32>,
    %swap3A_173 = vector.shape_cast %swap3A_172 : vector<16xf32> to vector<16xf32>
    %swap3A_174 = vector.shape_cast %broadcast_in_dim3A_170 : vector<16xf32> to vector<16xf32>
    tpu.vector_store %arg4[%swap3A_171], %swap3A_174 {strides = array<i32>} : memref<512xf32, #tpu.memory_space<vmem>>, vector<16xf32>,
    %broadcast_in_dim3A_175 = arith.constant 0.000000e+00 : f32
    %broadcast_in_dim3A_176 = vector.broadcast %broadcast_in_dim3A_175 : f32 to vector<16xf32>
    %swap3A_177 = arith.constant 464 : index
    %swap3A_178 = tpu.vector_load %arg4[%swap3A_177] {strides = array<i32>} : memref<512xf32, #tpu.memory_space<vmem>>, vector<16xf32>,
    %swap3A_179 = vector.shape_cast %swap3A_178 : vector<16xf32> to vector<16xf32>
    %swap3A_180 = vector.shape_cast %broadcast_in_dim3A_176 : vector<16xf32> to vector<16xf32>
    tpu.vector_store %arg4[%swap3A_177], %swap3A_180 {strides = array<i32>} : memref<512xf32, #tpu.memory_space<vmem>>, vector<16xf32>,
    %broadcast_in_dim3A_181 = arith.constant 0.000000e+00 : f32
    %broadcast_in_dim3A_182 = vector.broadcast %broadcast_in_dim3A_181 : f32 to vector<16xf32>
    %swap3A_183 = arith.constant 480 : index
    %swap3A_184 = tpu.vector_load %arg4[%swap3A_183] {strides = array<i32>} : memref<512xf32, #tpu.memory_space<vmem>>, vector<16xf32>,
    %swap3A_185 = vector.shape_cast %swap3A_184 : vector<16xf32> to vector<16xf32>
    %swap3A_186 = vector.shape_cast %broadcast_in_dim3A_182 : vector<16xf32> to vector<16xf32>
    tpu.vector_store %arg4[%swap3A_183], %swap3A_186 {strides = array<i32>} : memref<512xf32, #tpu.memory_space<vmem>>, vector<16xf32>,
    %broadcast_in_dim3A_187 = arith.constant 0.000000e+00 : f32
    %broadcast_in_dim3A_188 = vector.broadcast %broadcast_in_dim3A_187 : f32 to vector<16xf32>
    %swap3A_189 = arith.constant 496 : index
    %swap3A_190 = tpu.vector_load %arg4[%swap3A_189] {strides = array<i32>} : memref<512xf32, #tpu.memory_space<vmem>>, vector<16xf32>,
    %swap3A_191 = vector.shape_cast %swap3A_190 : vector<16xf32> to vector<16xf32>
    %swap3A_192 = vector.shape_cast %broadcast_in_dim3A_188 : vector<16xf32> to vector<16xf32>
    tpu.vector_store %arg4[%swap3A_189], %swap3A_192 {strides = array<i32>} : memref<512xf32, #tpu.memory_space<vmem>>, vector<16xf32>,
    "tpu.region"() ({
      %run_scoped3A = tpu.sem_alloc : memref<!tpu.dma_semaphore, #tpu.memory_space<semaphore_mem>>
      %dma_start3A = tpu.memref_slice %arg2[%mul3A_2] : memref<16384xf32, #tpu.memory_space<hbm>> -> memref<512xf32, #tpu.memory_space<hbm>>
      %dma_start3A_193 = tpu.memref_slice %arg2[%mul3A_2] : memref<16384xf32, #tpu.memory_space<hbm>> -> memref<512xf32, #tpu.memory_space<hbm>>
      tpu.enqueue_dma source(%arg4 : memref<512xf32, #tpu.memory_space<vmem>>) target(%dma_start3A_193 : memref<512xf32, #tpu.memory_space<hbm>>) target_semaphore(%run_scoped3A : memref<!tpu.dma_semaphore, #tpu.memory_space<semaphore_mem>>)
      %dma_wait3A = tpu.memref_slice %arg2[%mul3A_2] : memref<16384xf32, #tpu.memory_space<hbm>> -> memref<512xf32, #tpu.memory_space<hbm>>
      %dma_wait3A_194 = tpu.memref_slice %arg2[%mul3A_2] : memref<16384xf32, #tpu.memory_space<hbm>> -> memref<512xf32, #tpu.memory_space<hbm>>
      tpu.wait_dma2 semaphore(%run_scoped3A : memref<!tpu.dma_semaphore, #tpu.memory_space<semaphore_mem>>) src(%arg4 : memref<512xf32, #tpu.memory_space<vmem>>) dst(%dma_wait3A_194 : memref<512xf32, #tpu.memory_space<hbm>>)
      tpu.yield
    }) : () -> ()
    "tpu.region"() ({
      %run_scoped3A = tpu.sem_alloc : memref<!tpu.dma_semaphore, #tpu.memory_space<semaphore_mem>>
      %dma_start3A = tpu.memref_slice %arg3[%mul3A_2] : memref<16384xf32, #tpu.memory_space<hbm>> -> memref<512xf32, #tpu.memory_space<hbm>>
      %dma_start3A_193 = tpu.memref_slice %arg3[%mul3A_2] : memref<16384xf32, #tpu.memory_space<hbm>> -> memref<512xf32, #tpu.memory_space<hbm>>
      tpu.enqueue_dma source(%arg4 : memref<512xf32, #tpu.memory_space<vmem>>) target(%dma_start3A_193 : memref<512xf32, #tpu.memory_space<hbm>>) target_semaphore(%run_scoped3A : memref<!tpu.dma_semaphore, #tpu.memory_space<semaphore_mem>>)
      %dma_wait3A = tpu.memref_slice %arg3[%mul3A_2] : memref<16384xf32, #tpu.memory_space<hbm>> -> memref<512xf32, #tpu.memory_space<hbm>>
      %dma_wait3A_194 = tpu.memref_slice %arg3[%mul3A_2] : memref<16384xf32, #tpu.memory_space<hbm>> -> memref<512xf32, #tpu.memory_space<hbm>>
      tpu.wait_dma2 semaphore(%run_scoped3A : memref<!tpu.dma_semaphore, #tpu.memory_space<semaphore_mem>>) src(%arg4 : memref<512xf32, #tpu.memory_space<vmem>>) dst(%dma_wait3A_194 : memref<512xf32, #tpu.memory_space<hbm>>)
      tpu.yield
    }) : () -> ()
    return
  }
}

module attributes {stable_mosaic.version = 14 : i64} {
  func.func @_fused_kernel(%arg0: i32, %arg1: memref<4096x256xf32, #tpu.memory_space<vmem>>, %arg2: memref<256x1000xf32, #tpu.memory_space<vmem>>, %arg3: memref<1x1000xf32, #tpu.memory_space<vmem>>, %arg4: memref<4096x1000xf32, #tpu.memory_space<vmem>>) attributes {dimension_semantics = [#tpu.dimension_semantics<arbitrary>], iteration_bounds = array<i64: 4>, scalar_prefetch = 0 : i64, scratch_operands = 0 : i64, tpu.core_type = #tpu.core_type<tc>, window_params = [{transform_indices = @transform_0, window_bounds = array<i64: 4096, 256>}, {pipeline_mode = #tpu.pipeline_mode<synchronous>, transform_indices = @transform_1, window_bounds = array<i64: 256, 1000>}, {pipeline_mode = #tpu.pipeline_mode<synchronous>, transform_indices = @transform_2, window_bounds = array<i64: 1, 1000>}, {transform_indices = @transform_3, window_bounds = array<i64: 4096, 1000>}]} {
    %get3A = arith.constant 0 : index
    %get3A_0 = arith.constant 0 : index
    %get3A_1 = vector.load %arg1[%get3A, %get3A_0] : memref<4096x256xf32, #tpu.memory_space<vmem>>, vector<4096x256xf32>
    %get3A_2 = arith.constant 0 : index
    %get3A_3 = arith.constant 0 : index
    %get3A_4 = vector.load %arg2[%get3A_2, %get3A_3] : memref<256x1000xf32, #tpu.memory_space<vmem>>, vector<256x1000xf32>
    %dot_general3A = arith.constant dense<0.000000e+00> : vector<4096x1000xf32>
    %dot_general3A_5 = tpu.matmul %get3A_1, %get3A_4, %dot_general3A {dimension_numbers = #tpu.dot_dimension_numbers<[1], [0], [0], [1], [0, 0, 1, 1], [], []>, transpose_lhs_hint = false} : vector<4096x256xf32>, vector<256x1000xf32>, vector<4096x1000xf32> -> vector<4096x1000xf32>
    %get3A_6 = arith.constant 0 : index
    %get3A_7 = arith.constant 0 : index
    %get3A_8 = vector.load %arg3[%get3A_6, %get3A_7] : memref<1x1000xf32, #tpu.memory_space<vmem>>, vector<1x1000xf32>
    %add3A = vector.broadcast %get3A_8 : vector<1x1000xf32> to vector<4096x1000xf32>
    %add3A_9 = arith.addf %dot_general3A_5, %add3A : vector<4096x1000xf32>
    %swap3A = arith.constant 0 : index
    %swap3A_10 = arith.constant 0 : index
    %swap3A_11 = vector.load %arg4[%swap3A, %swap3A_10] : memref<4096x1000xf32, #tpu.memory_space<vmem>>, vector<4096x1000xf32>
    tpu.vector_store %arg4[%swap3A, %swap3A_10], %add3A_9 {strides = array<i32>} : memref<4096x1000xf32, #tpu.memory_space<vmem>>, vector<4096x1000xf32>,
    return
  }
  func.func @transform_0(%arg0: i32) -> (i32, i32) {
    %c0_i32 = arith.constant 0 : i32
    %c0_i32_0 = arith.constant 0 : i32
    return %arg0, %c0_i32 : i32, i32
  }
  func.func @transform_1(%arg0: i32) -> (i32, i32) {
    %c0_i32 = arith.constant 0 : i32
    %c0_i32_0 = arith.constant 0 : i32
    %c0_i32_1 = arith.constant 0 : i32
    return %c0_i32, %c0_i32_0 : i32, i32
  }
  func.func @transform_2(%arg0: i32) -> (i32, i32) {
    %c0_i32 = arith.constant 0 : i32
    %c0_i32_0 = arith.constant 0 : i32
    %c0_i32_1 = arith.constant 0 : i32
    return %c0_i32, %c0_i32_0 : i32, i32
  }
  func.func @transform_3(%arg0: i32) -> (i32, i32) {
    %c0_i32 = arith.constant 0 : i32
    %c0_i32_0 = arith.constant 0 : i32
    return %arg0, %c0_i32 : i32, i32
  }
}

</mosaic_0001>

<sc_bundles>
// kernel: kernel.4.cloned.1.call-start
scs
__scs_entry_jumppad:
0x0: {  	(pc) =	sbr.rel $0x88, $3  }
0x1: {  	(tag) =	ssettag $0x0;
	lr =	simm.s32 $0x1  }
0x2: {  	[smem:$0x3F9E] =	sst lr;
	_ =	strace $0xD0000000  }
0x3: {  	_ = 	snop  }
0x4: {  	_ = 	snop  }
0x5: {  	_ = 	snop  }
0x6: {  	_ = 	snop  }
0x7: {  	_ = 	snop  }
__scs_overlays_trampoline_lowered:
0x8: {  	[smem:$0x3FAD] =	sst s0  }
0x9: {  	[smem:$0x3FAE] =	sst s1  }
0xa: {  	[smem:$0x3FAF] =	sst s2  }
0xb: {  	[smem:$0x3FB0] =	sst s3  }
0xc: {  	[smem:$0x3FB1] =	sst s4  }
0xd: {  	[smem:$0x3FB2] =	sst s5  }
0xe: {  	[smem:$0x3FB3] =	sst s6  }
0xf: {  	[smem:$0x3FB4] =	sst s7  }
0x10: {  	[smem:$0x3FB5] =	sst s8  }
0x11: {  	[smem:$0x3FB6] =	sst s9;
	s0 =	simm.s32 @!p0 $0x0  }
0x12: {  	s1 =	sld [smem:$0x3F9C];
	s0 =	simm.s32 @p0 $0x1  }
0x13: {  	[smem:$0x3FB7] =	sst s0;
	s0 =	simm.s32 @!p1 $0x0  }
0x14: {  	s2 =	sld [smem:$0x3F9B];
	s0 =	simm.s32 @p1 $0x1  }
0x15: {  	[smem:$0x3FB8] =	sst s0;
	s0 =	simm.s32 @!p2 $0x0  }
0x16: {  	s3 =	sld [smem:$0x3FDB];
	s0 =	simm.s32 @p2 $0x1  }
0x17: {  	s4 =	simm.s32 $0x1BF5;
	[smem:$0x3FBA] =	sst s0  }
0x18: {  	s0 =	sld [smem:$0x3F9D];
	_ =	swait.ge [sflag:s4], $0x0  }
0x19: {  	s7 =	sld [smem:$0x3F9E]  }
0x1a: {  	s8 =	sadd.s32 $0xFFFFE003, lr  }
0x1b: {  	s9 =	sadd.s32 $0xFFFFFEF7, lr;
	s5 =	simm.s32 $0xFFFFFFFF;
	p2 =	slt.u32 s8, $0xFFFFF086  }
0x1c: {  	p1 =	slt.u32 s9, $0xF7A;
	s5 =	simm.s32 @!p2 $0x0  }
0x1d: {  	s5 =	simm.s32 @p1 $0x1;
	p0 =	seq.s32 s7, s2  }
0x1e: {  	s7 =	smul.u32 @!p0 $0xF7A, s2;
	p2 =	seq.s32 @!p0 s5, $0x0  }
0x1f: {  	s9 =	smul.u32 $0xF7A, s1;
	s8 =	simm.s32 @!p0 $0x1BF5;
	p2 =	por !p2, p0  }
0x20: {  	[sflag:s8] =	ssyncset.s32 @!p0 $0xFFFFF086;
	s6 =	sadd.s32 @!p0 s3, s7;
	s7 =	simm.s32 @!p0 $0x108  }
0x21: {  	s3 =	sadd.s32 s3, s9;
	s6 =	sadd.s32 @!p0 $0x88, s6;
	s7 =	simm.s32 @p2 $0x1082  }
0x22: {  	[simem:s7], [sflag:s8] =	dma.local @!p0 [hbm:s6], $0xF7A  }
0x23: {  	s9 =	sor.u32 $0xD0000000, s2;
	s6 =	simm.s32 $0x108;
	_ =	swait.ge @!p0 [sflag:s8], $0x0  }
0x24: {  	s3 =	sadd.s32 $0x88, s3;
	s6 =	simm.s32 @!p1 $0x1082;
	[sflag:s4] =	ssyncset.s32 $0xFFFFF086  }
0x25: {  	[simem:s6], [sflag:s4] =	dma.local [hbm:s3], $0xF7A  }
0x26: {  	[smem:$0x3F9E] =	sst s1;
	(tag) =	ssettag s2;
	_ =	strace s9  }
0x27: {  	s1 =	sld [smem:$0x3FAE]  }
0x28: {  	s2 =	sld [smem:$0x3FAF]  }
0x29: {  	s4 =	sld [smem:$0x3FB1]  }
0x2a: {  	p0 =	seq.s32 s5, $0x0;
	s5 =	sld [smem:$0x3FB2]  }
0x2b: {  	s6 =	sld [smem:$0x3FB3]  }
0x2c: {  	s7 =	sld [smem:$0x3FB4]  }
0x2d: {  	s3 =	simm.s32 $0x108;
	s8 =	sld [smem:$0x3FB5]  }
0x2e: {  	s3 =	simm.s32 @!p0 $0x1082;
	s9 =	sld [smem:$0x3FB6]  }
0x2f: {  	lr =	sadd.s32 s0, s3;
	s0 =	sld [smem:$0x3FAD]  }
0x30: {  	s3 =	sld [smem:$0x3FB0]  }
0x31: {  	[smem:$0x3FB9] =	sst s10  }
0x32: {  	s10 =	sld [smem:$0x3FB7];
	_ =	sdelay $0x3  }
0x33: {  	p0 =	seq.s32 s10, $0x1;
	s10 =	sld [smem:$0x3FB9];
	_ =	sdelay $0x3  }
0x34: {  	[smem:$0x3FB9] =	sst s10  }
0x35: {  	s10 =	sld [smem:$0x3FB8];
	_ =	sdelay $0x3  }
0x36: {  	p1 =	seq.s32 s10, $0x1;
	s10 =	sld [smem:$0x3FB9];
	_ =	sdelay $0x3  }
0x37: {  	[smem:$0x3FB9] =	sst s10  }
0x38: {  	s10 =	sld [smem:$0x3FBA]  }
0x39: {  	_ = 	snop;
	(pc) =	sbr.ind lr, $3  }
0x3a: {  	_ = 	snop  }
0x3b: {  	_ = 	snop  }
0x3c: {  	p2 =	seq.s32 s10, $0x1;
	s10 =	sld [smem:$0x3FB9]  }
0x3d: {  	_ =	shalt  }
0x3e: {  	_ =	shalt  }
0x3f: {  	_ =	shalt  }
0x40: {  	_ =	shalt  }
0x41: {  	_ =	shalt  }
0x42: {  	_ =	shalt  }
0x43: {  	_ =	shalt  }
0x44: {  	_ =	shalt  }
0x45: {  	_ =	shalt  }
0x46: {  	_ =	shalt  }
0x47: {  	_ =	shalt  }
0x48: {  	_ =	shalt  }
0x49: {  	_ =	shalt  }
0x4a: {  	_ =	shalt  }
0x4b: {  	_ =	shalt  }
0x4c: {  	_ =	shalt  }
0x4d: {  	_ =	shalt  }
0x4e: {  	_ =	shalt  }
0x4f: {  	_ =	shalt  }
0x50: {  	_ =	shalt  }
0x51: {  	_ =	shalt  }
0x52: {  	_ =	shalt  }
0x53: {  	_ =	shalt  }
0x54: {  	_ =	shalt  }
0x55: {  	_ =	shalt  }
0x56: {  	_ =	shalt  }
0x57: {  	_ =	shalt  }
0x58: {  	_ =	shalt  }
0x59: {  	_ =	shalt  }
0x5a: {  	_ =	shalt  }
0x5b: {  	_ =	shalt  }
0x5c: {  	_ =	shalt  }
0x5d: {  	_ =	shalt  }
0x5e: {  	_ =	shalt  }
0x5f: {  	_ =	shalt  }
0x60: {  	_ =	shalt  }
0x61: {  	_ =	shalt  }
0x62: {  	_ =	shalt  }
0x63: {  	_ =	shalt  }
0x64: {  	_ =	shalt  }
0x65: {  	_ =	shalt  }
0x66: {  	_ =	shalt  }
0x67: {  	_ =	shalt  }
0x68: {  	_ =	shalt  }
0x69: {  	_ =	shalt  }
0x6a: {  	_ =	shalt  }
0x6b: {  	_ =	shalt  }
0x6c: {  	_ =	shalt  }
0x6d: {  	_ =	shalt  }
0x6e: {  	_ =	shalt  }
0x6f: {  	_ =	shalt  }
0x70: {  	_ =	shalt  }
0x71: {  	_ =	shalt  }
0x72: {  	_ =	shalt  }
0x73: {  	_ =	shalt  }
0x74: {  	_ =	shalt  }
0x75: {  	_ =	shalt  }
0x76: {  	_ =	shalt  }
0x77: {  	_ =	shalt  }
0x78: {  	_ =	shalt  }
0x79: {  	_ =	shalt  }
0x7a: {  	_ =	shalt  }
0x7b: {  	_ =	shalt  }
0x7c: {  	_ =	shalt  }
0x7d: {  	_ =	shalt  }
0x7e: {  	_ =	shalt  }
0x7f: {  	_ =	shalt  }
0x80: {  	_ =	shalt  }
0x81: {  	_ =	shalt  }
0x82: {  	_ =	shalt  }
0x83: {  	_ =	shalt  }
0x84: {  	_ =	shalt  }
0x85: {  	_ =	shalt  }
0x86: {  	_ =	shalt  }
0x87: {  	_ =	shalt  }
.Lfunc_end0:
.L_simem_size_0:
called_computation_lowered:
.L_overlay_start_0:
0x88: {  	s2 =	sld [smem:$0x3FD9]  }
0x89: {  	s3 =	sld [smem:$0x3FFE];
	_ =	sdelay $0x1  }
0x8a: {  	s1 =	srdreg.scid  }
0x8b: {  	s0 =	sand.u32 $0x1, s1  }
0x8c: {  	s15 =	sshll.u32 s0, $0xA;
	s2 =	sadd.s32 s3, s2  }
0x8d: {  	s2 =	sadd.s32 s2, s15  }
0x8e: {  	[smem:$0x3FC5] =	sst s2  }
0x8f: {  	_ = 	snop  }
0x90: {  	s2 =	sld [smem:$0x3FD0];
	_ =	sdelay $0x2  }
0x91: {  	s16 =	simm.s32 $0xA;
	s4 =	simm.s32 $0x10  }
0x92: {  	[smem:s4], [sflag:s16] =	dma.local [hbm:s2], $0x1  }
0x93: {  	_ =	swait.eq [sflag:s16], $0x1  }
0x94: {  	[sflag:s16] =	ssyncset.done $0x0  }
0x95: {  	s17 =	sld [smem:$0x11];
	[sflag:s16] =	ssyncadd.s32 $0xFFFFFFFF  }
0x96: {  	s18 =	sld [smem:$0x12];
	(tm) =	ssettm $0x1  }
0x97: {  	s19 =	sld [smem:$0x3FFB];
	_ =	sdelay $0x3  }
0x98: {  	_ =	strace s19  }
0x99: {  	s4 =	sld [smem:$0x3FFC];
	_ =	sdelay $0x3  }
0x9a: {  	_ =	strace s4  }
0x9b: {  	s4 =	sld [smem:$0x3FFD];
	_ =	sdelay $0x3  }
0x9c: {  	_ =	strace s4  }
0x9d: {  	_ =	strace $0x8FFFFFFF  }
0x9e: {  	s20 =	sld [smem:$0x3FDB];
	_ =	sdelay $0x1  }
0x9f: {  	s5 =	simm.s32 $_scs_section_size  }
0xa0: {  	s6 =	simm.s32 $_size__tile_overlayer_lowered;
	s7 =	simm.s32 $_tile_overlayer_lowered  }
0xa1: {  	s23 =	simm.s32 $0x1BFF;
	s22 =	sshll.u32 s7, $0x1;
	s4 =	sadd.s32 s5, s20  }
0xa2: {  	s8 =	simm.s32 $0x0;
	s21 =	sshll.u32 s6, $0x1;
	s6 =	sadd.s32 s22, s4  }
0xa3: {  	[timem:s8], [sflag:s23] =	dma.local [hbm:s6], s21  }
0xa4: {  	_ =	swait.ge [sflag:s23], s21  }
0xa5: {  	s5 =	ssub.s32 $0x0, s21;
	[sflag:s23] =	ssyncset.done $0x0  }
0xa6: {  	[sflag:s23] =	ssyncadd.s32 s5;
	_ =	sdelay $0x1  }
0xa7: {  	s24 =	simm.s32 $0x1B8B  }
0xa8: {  	_ =	swait.ge [sflag:s24], $0x1  }
0xa9: {  	[sflag:s24] =	ssyncset.done $0x0  }
0xaa: {  	s25 =	simm.s32 $0x1B8E;
	[sflag:s24] =	ssyncadd.s32 $0xFFFFFFFF  }
0xab: {  	s26 =	simm.s32 $execute0_lowered;
	[smem:$0x3FD2] =	sst s25  }
0xac: {  	s5 =	sshll.u32 s26, $0x1;
	_ =	strace $0x80000046;
	[dreg:$0x1] =	wrdreg $0xFFFFFFFF  }
0xad: {  	s28 =	simm.s32 $_size_execute0_lowered;
	s4 =	sadd.s32 s4, s5;
	[dreg:$0x0] =	wrdreg $0x0  }
0xae: {  	s5 =	sshll.u32 s28, $0x1;
	[dreg:$0x2] =	wrdreg s4  }
0xaf: {  	[dreg:$0x3] =	wrdreg s5  }
0xb0: {  	[dreg:$0x4] =	wrdreg $0xC0  }
0xb1: {  	_ =	task [dreg:s8], $0x5FFFF  }
0xb2: {  	[dreg:$0x1] =	wrdreg $0xFFFFFFFF  }
0xb3: {  	[dreg:$0x0] =	wrdreg $0x60  }
0xb4: {  	[dreg:$0x2] =	wrdreg s17  }
0xb5: {  	[dreg:$0x3] =	wrdreg s18  }
0xb6: {  	[dreg:$0x4] =	wrdreg $0x9  }
0xb7: {  	_ =	task.clear_ibuf [dreg:s8], $0x5FFFF;
	_ =	strace $0x90000046  }
0xb8: {  	s29 =	simm.s32 $0x9;
	_ =	strace $0x80000048  }
0xb9: {  	_ =	swait.ge [sflag:s29], $0x1  }
0xba: {  	[sflag:s29] =	ssyncadd.s32 $0xFFFFFFFF  }
0xbb: {  	_ =	strace $0x90000048  }
0xbc: {  	_ =	sfence  }
0xbd: {  	s30 =	sld [smem:$0x0];
	_ =	sdelay $0x2  }
0xbe: {  	s31 =	sshll.u32 s1, $0xD;
	s1 =	sshrl.u32 s1, $0x2  }
0xbf: {  	s3 =	sand.u32 $0x4000, s31;
	s1 =	sadd.s32 s1, s30  }
0xc0: {  	s0 =	sor.u32 s3, s0;
	s1 =	sshll.u32 s1, $0x11  }
0xc1: {  	s0 =	sor.u32 s1, s0  }
0xc2: {  	s0 =	sadd.s32 $0x8F2B, s0  }
0xc3: {  	[sflag:s0] =	ssyncadd.remote.s32 $0x1  }
0xc4: {  	_ =	sfence.sel $0xFFFF  }
0xc5: {  	[dreg:$0x0] =	wrdreg $0xFFFFFFFF;
	(pc) =	sbr.abs _section_cstart, $3  }
0xc6: {  	[dreg:$0x1] =	wrdreg $0xFFFFFFFF  }
0xc7: {  	_ =	task.clear_ibuf [dreg:s8], $0x2FFFF;
	_ =	strace $0x9FFFFFFF  }
0xc8: {  	(tm) =	ssettm $0x7FFFFFFF  }
0xc9: {  	_ =	shalt  }
tec
execute0_lowered:
.L_overlay_start_1:
0x0: {  	(tag) =	ssettag $0x1  }
0x1: {  	s3 =	rddreg [dreg:$0x0]  }
0x2: {  	s5 =	rddreg [dreg:$0x1];
	s1 =	simm.s32 $0x0  }
0x3: {  	v0 =	vimm.f32 $0.0e+00;
	[smem:$0x7FF] =	sst s1  }
0x4: {  	s0 =	rddreg [dreg:$0x2];
	_ =	strace $0x80000047;
	[tilespmem:$0x20] =	vst v0  }
0x5: {  	[tilespmem:$0x30] =	vst v0  }
0x6: {  	[tilespmem:$0x40] =	vst v0  }
0x7: {  	[tilespmem:$0x50] =	vst v0  }
0x8: {  	[tilespmem:$0x0] =	vst v0  }
0x9: {  	[tilespmem:$0x1F0] =	vst v0  }
0xa: {  	[tilespmem:$0x1E0] =	vst v0  }
0xb: {  	[tilespmem:$0x1D0] =	vst v0  }
0xc: {  	[tilespmem:$0x1C0] =	vst v0  }
0xd: {  	[tilespmem:$0x1B0] =	vst v0  }
0xe: {  	[tilespmem:$0x1A0] =	vst v0  }
0xf: {  	[tilespmem:$0x190] =	vst v0  }
0x10: {  	[tilespmem:$0x180] =	vst v0  }
0x11: {  	[tilespmem:$0x170] =	vst v0  }
0x12: {  	[tilespmem:$0x160] =	vst v0  }
0x13: {  	[tilespmem:$0x150] =	vst v0  }
0x14: {  	[tilespmem:$0x140] =	vst v0  }
0x15: {  	[tilespmem:$0x130] =	vst v0  }
0x16: {  	[tilespmem:$0x120] =	vst v0  }
0x17: {  	[tilespmem:$0x110] =	vst v0  }
0x18: {  	[tilespmem:$0x100] =	vst v0  }
0x19: {  	[tilespmem:$0xF0] =	vst v0  }
0x1a: {  	[tilespmem:$0xE0] =	vst v0  }
0x1b: {  	[tilespmem:$0xD0] =	vst v0  }
0x1c: {  	[tilespmem:$0xC0] =	vst v0  }
0x1d: {  	[tilespmem:$0xB0] =	vst v0  }
0x1e: {  	[tilespmem:$0xA0] =	vst v0  }
0x1f: {  	s4 =	srdreg.scid;
	[tilespmem:$0x90] =	vst v0  }
0x20: {  	s2 =	stileid.u32;
	s4 =	sand.u32 $0x1, s4;
	[tilespmem:$0x80] =	vst v0  }
0x21: {  	s6 =	sshll.u32 s2, $0x7;
	s7 =	sshll.u32 s4, $0x6;
	[tilespmem:$0x70] =	vst v0;
	s30 =	ssub.s32 $0x2, s4  }
0x22: {  	[tilespmem:$0x60] =	vst v0;
	s6 =	sor.u32 s7, s6;
	s8 =	sshrl.u32 s30, $0x1  }
0x23: {  	[tilespmem:$0x10] =	vst v0;
	s4 =	sadd.s32 s3, s6;
	s7 =	ssub.s32 s30, s8  }
0x24: {  	[hbm4b:s4+s1] =	stream.linear.scatter [tilespmem:s1], [sflag:$0x1], $0x200, $0x38;
	[tilespmem:$0x200] =	vst v63  }
0x25: {  	s3 =	simm.s32 $0x1;
	s31 =	smax.u32 s7, $0x1  }
0x26: {  	_ =	swait.ge [sflag:s3], $0x200;
	p0 =	sne.s32 s31, $0x1  }
.Ltmp0:
0x27: {  	[sflag:s3] =	ssyncset.done $0x0;
	(pc) =	sbr.rel @!p0 .LBB2_2-.Ltmp0, $4  }
0x28: {  	s5 =	sadd.s32 s5, s6;
	[sflag:s3] =	ssyncadd.s32 $0xFFFFFE00  }
0x29: {  	[hbm4b:s5+s1] =	stream.linear.scatter [tilespmem:s1], [sflag:$0x1], $0x200, $0x38;
	[tilespmem:$0x200] =	vst v63  }
0x2a: {  	_ =	swait.ge [sflag:s3], $0x200  }
0x2b: {  	s6 =	sadd.s32 $0xFFFFFFFF, s31;
	[sflag:s3] =	ssyncset.done $0x0  }
.LBB2_1:
0x2c: {  	p0 =	sne.s32 s6, $0x1;
	s6 =	sadd.s32 $0xFFFFFFFF, s6;
	[sflag:s3] =	ssyncadd.s32 $0xFFFFFE00  }
0x2d: {  	[tilespmem:$0x20] =	vst v0  }
0x2e: {  	[tilespmem:$0x30] =	vst v0  }
0x2f: {  	[tilespmem:$0x40] =	vst v0  }
0x30: {  	[tilespmem:$0x50] =	vst v0  }
0x31: {  	[tilespmem:$0x0] =	vst v0  }
0x32: {  	[tilespmem:$0x1F0] =	vst v0  }
0x33: {  	[tilespmem:$0x1E0] =	vst v0  }
0x34: {  	[tilespmem:$0x1D0] =	vst v0  }
0x35: {  	[tilespmem:$0x1C0] =	vst v0  }
0x36: {  	[tilespmem:$0x1B0] =	vst v0  }
0x37: {  	[tilespmem:$0x1A0] =	vst v0  }
0x38: {  	[tilespmem:$0x190] =	vst v0  }
0x39: {  	[tilespmem:$0x180] =	vst v0  }
0x3a: {  	[tilespmem:$0x170] =	vst v0  }
0x3b: {  	[tilespmem:$0x160] =	vst v0  }
0x3c: {  	[tilespmem:$0x150] =	vst v0  }
0x3d: {  	[tilespmem:$0x140] =	vst v0  }
0x3e: {  	[tilespmem:$0x130] =	vst v0  }
0x3f: {  	[tilespmem:$0x120] =	vst v0  }
0x40: {  	[tilespmem:$0x110] =	vst v0  }
0x41: {  	[tilespmem:$0x100] =	vst v0  }
0x42: {  	[tilespmem:$0xF0] =	vst v0  }
0x43: {  	[tilespmem:$0xE0] =	vst v0  }
0x44: {  	[tilespmem:$0xD0] =	vst v0  }
0x45: {  	[tilespmem:$0xC0] =	vst v0  }
0x46: {  	[tilespmem:$0xB0] =	vst v0  }
0x47: {  	[tilespmem:$0xA0] =	vst v0  }
0x48: {  	[tilespmem:$0x90] =	vst v0  }
0x49: {  	[tilespmem:$0x80] =	vst v0  }
0x4a: {  	[tilespmem:$0x70] =	vst v0  }
0x4b: {  	[tilespmem:$0x60] =	vst v0  }
0x4c: {  	[tilespmem:$0x10] =	vst v0  }
0x4d: {  	[hbm4b:s4+s1] =	stream.linear.scatter [tilespmem:s1], [sflag:$0x1], $0x200, $0x38;
	[tilespmem:$0x200] =	vst v63  }
0x4e: {  	_ =	swait.ge [sflag:s3], $0x200  }
.Ltmp1:
0x4f: {  	[sflag:s3] =	ssyncset.done $0x0;
	(pc) =	sbr.rel @p0 .LBB2_1-.Ltmp1, $4  }
0x50: {  	[sflag:s3] =	ssyncadd.s32 $0xFFFFFE00  }
0x51: {  	[hbm4b:s5+s1] =	stream.linear.scatter [tilespmem:s1], [sflag:$0x1], $0x200, $0x38;
	[tilespmem:$0x200] =	vst v63  }
0x52: {  	_ =	swait.ge [sflag:s3], $0x200  }
0x53: {  	[sflag:s3] =	ssyncset.done $0x0  }
.LBB2_2:
0x54: {  	[sflag:s3] =	ssyncadd.s32 $0xFFFFFE00  }
0x55: {  	_ =	sfence.sel $0x180000  }
0x56: {  	[bflag:$0x0] =	sbarrier.arrive $0xFFFF  }
0x57: {  	p0 =	sne.s32 s2, $0x0;
	_ =	strace $0x90000047  }
0x58: {  	s0 =	sadd.s32 @!p0 $0x100000, s0;
	[bflag:$0x2] =	sbarrier.arrive $0xFFFF  }
0x59: {  	[sflag:s0] =	ssyncadd.tile.s32 @!p0 $0x1;
	_ =	shalt  }
.Lfunc_end2:
_tile_overlayer_lowered:
.L_overlay_start_2:
0x5a: {  	(tag) =	ssettag $0x2  }
0x5b: {  	s0 =	rddreg [dreg:$0x0];
	s2 =	stileid.u32  }
0x5c: {  	s1 =	rddreg [dreg:$0x1];
	p0 =	sne.s32 s2, $0x0  }
0x5d: {  	s3 =	rddreg [dreg:$0x2];
	[bflag:$0x3] =	sbarrier.arrive $0xFFFF;
	s2 =	simm.s32 @!p0 $0x1C01  }
0x5e: {  	[timem:s3], [sflag:s2] =	dma.local @!p0 [hbm:s0], s1  }
0x5f: {  	s0 =	simm.s32 @!p0 $0x1  }
0x60: {  	_ =	swait.ge @!p0 [sflag:s0], s1  }
0x61: {  	s1 =	ssub.s32 @!p0 $0x0, s1;
	[sflag:s0] =	ssyncset.done @!p0 $0x0  }
0x62: {  	[sflag:s0] =	ssyncadd.s32 @!p0 s1  }
0x63: {  	[bflag:$0x3] =	sbarrier.arrive $0xFFFF  }
0x64: {  	_ =	shalt  }

</sc_bundles>
